<compile_context>
chip_gen: v7x
topology: tpu7x:2x2x1
jax: 0.10.2.dev20260603
libtpu: 0.0.44.dev20260713+nightly
codegen_flags: <defaults>
</compile_context>

<pallas_src>
import functools
import math

import jax
import jax.numpy as jnp
from jax import lax
from jax.experimental import pallas as pl
from jax.experimental.pallas import tpu as pltpu
from jax.experimental.pallas import tpu_sc as plsc

_SIZE = 1000
_PAD = 0
_SMOOTH = 0.1
_CONF = 1.0 - _SMOOTH
_EPS = _SMOOTH / (_SIZE - 2)
_ROW_CONST = _SMOOTH * math.log(_EPS) + _CONF * math.log(_CONF)

_BC = 2048
_SPLIT = 744
_LANES = 16


def _tc_body(xt_ref, t_ref, a_ref, n_ref):
    pid = pl.program_id(0)

    @pl.when(pid == 0)
    def _():
        a_ref[0, 0] = 0.0
        n_ref[0, 0] = 0.0

    xb = xt_ref[...]
    t = t_ref[...]
    mask = t != _PAD
    rows = lax.broadcasted_iota(jnp.int32, xb.shape, 0)
    w = jnp.where(rows == t, -_CONF, -_EPS)
    w = jnp.where((rows == _PAD) | (~mask), 0.0, w)
    a_ref[0, 0] += jnp.sum(xb * w)
    n_ref[0, 0] += jnp.sum(jnp.where(mask, 1.0, 0.0))


def _tc_weighted_sum(xt, t2d):
    n_cols = xt.shape[1]
    scalar_spec = pl.BlockSpec((1, 1), lambda i: (0, 0),
                               memory_space=pltpu.SMEM)
    return pl.pallas_call(
        _tc_body,
        grid=(n_cols // _BC,),
        in_specs=[
            pl.BlockSpec((_SPLIT, _BC), lambda i: (0, i)),
            pl.BlockSpec((1, _BC), lambda i: (0, i)),
        ],
        out_specs=[scalar_spec, scalar_spec],
        out_shape=[jax.ShapeDtypeStruct((1, 1), jnp.float32)] * 2,
    )(xt, t2d)


def _sc_weighted_sum(xt, tgt):
    info = plsc.get_sparse_core_info()
    nc, ns = info.num_cores, info.num_subcores
    nw = nc * ns
    n_cols = xt.shape[1]
    rows_sc = _SIZE - _SPLIT
    rpw = rows_sc // nw
    rchunk = 2

    @functools.partial(
        pl.kernel,
        mesh=plsc.VectorSubcoreMesh(core_axis_name="c", subcore_axis_name="s"),
        out_type=jax.ShapeDtypeStruct((nw, _LANES), jnp.float32),
        scratch_types=[
            pltpu.VMEM((n_cols,), jnp.int32),
            pltpu.VMEM((rchunk, n_cols), jnp.float32),
            pltpu.VMEM((_LANES,), jnp.float32),
        ],
    )
    def k(xt_hbm, t_hbm, out_hbm, t_v, buf_v, res_v):
        wid = lax.axis_index("s") * nc + lax.axis_index("c")
        row0 = _SPLIT + wid * rpw
        pltpu.sync_copy(t_hbm, t_v)
        acc = jnp.zeros((_LANES,), jnp.float32)
        for it in range(rpw // rchunk):
            pltpu.sync_copy(xt_hbm.at[pl.ds(row0 + it * rchunk, rchunk)],
                            buf_v)
            r0 = row0 + it * rchunk
            r1 = r0 + 1

            def body(j, acc):
                sl = pl.ds(j * _LANES, _LANES)
                t16 = t_v[sl]
                x0 = buf_v[0, sl]
                x1 = buf_v[1, sl]
                w0 = jnp.where(t16 == r0, -_CONF, -_EPS)
                w1 = jnp.where(t16 == r1, -_CONF, -_EPS)
                contrib = x0 * w0 + x1 * w1
                return acc + jnp.where(t16 != _PAD, contrib, 0.0)

            acc = lax.fori_loop(0, n_cols // _LANES, body, acc)
        res_v[...] = acc
        pltpu.sync_copy(res_v, out_hbm.at[wid])

    return k(xt, tgt)


def kernel(x, target):
    n_rows = x.shape[0]
    t32 = target.astype(jnp.int32)
    xt = x.T
    sc_parts = _sc_weighted_sum(xt, t32)
    a, n = _tc_weighted_sum(xt, t32.reshape(1, n_rows))
    total = n[0, 0] * _ROW_CONST + a[0, 0] + jnp.sum(sc_parts)
    return total.astype(jnp.float32)

# --- scband reference (transcript-rebuilt; emitter-appended) ---
"""Pipeline reference for scband-label-smoothing-28621662060717 (READ-ONLY COPY).

The authoritative reference and input builder live on the scoring server;
editing this copy changes nothing except your own understanding.
"""

import jax, jax.numpy as jnp
import numpy as np

SIZE = 1000
PADDING_IDX = 0
SMOOTHING = 0.1
CONFIDENCE = 1.0 - SMOOTHING


def setup_inputs(seed: int = 0) -> dict:
    key = jax.random.key(seed)
    k1, k2 = jax.random.split(key)
    x = jax.random.normal(k1, (16384, SIZE), dtype=jnp.float32)
    target = jax.random.randint(k2, (16384,), 0, 1000, dtype=jnp.int64 if jax.config.jax_enable_x64 else jnp.int32)
    return {"x": x, "target": target}


def reference(x, target):
    n = x.shape[0]
    # true_dist filled with smoothing / (size - 2)
    true_dist = jnp.full_like(x, SMOOTHING / (SIZE - 2))
    # scatter confidence at target positions (dim=1 scatter)
    true_dist = true_dist.at[jnp.arange(n), target].set(CONFIDENCE)
    # zero out the padding column
    true_dist = true_dist.at[:, PADDING_IDX].set(0.0)
    # index_fill_ rows where target == padding_idx with 0.0
    pad_mask = (target == PADDING_IDX)
    true_dist = jnp.where(pad_mask[:, None], 0.0, true_dist)
    # KLDivLoss(size_average=False): sum( t * (log(t) - x) ), with 0 where t == 0
    kl = jnp.where(true_dist > 0, true_dist * (jnp.log(jnp.where(true_dist > 0, true_dist, 1.0)) - x), 0.0)
    return jnp.sum(kl)

if __name__ == "__main__":
    import jax
    _d = setup_inputs()
    print(jax.jit(kernel)(*tuple(_d.values())))

</pallas_src>

<mosaic_0001>
#map = affine_map<(d0, d1) -> (0, 0)>
#map1 = affine_map<(d0, d1) -> (0)>
module attributes {stable_mosaic.version = 14 : i64} {
  func.func @k(%arg0: i32, %arg1: i32, %arg2: memref<1000x16384xf32, #tpu.memory_space<hbm>>, %arg3: memref<16384xi32, #tpu.memory_space<hbm>>, %arg4: memref<32x16xf32, #tpu.memory_space<hbm>>, %arg5: memref<16384xi32, #tpu.memory_space<vmem>>, %arg6: memref<2x16384xf32, #tpu.memory_space<vmem>>, %arg7: memref<16xf32, #tpu.memory_space<vmem>>) attributes {dimension_semantics = [#tpu.dimension_semantics<core_parallel>, #tpu.dimension_semantics<subcore_parallel>], iteration_bounds = array<i64: 2, 16>, scalar_prefetch = 0 : i64, scratch_operands = 3 : i64, tpu.core_type = #tpu.core_type<sc_vector_subcore>, window_params = [{transform_indices = #map}, {transform_indices = #map1}, {transform_indices = #map}]} {
    %mul3A = arith.constant 2 : i32
    %mul3A_0 = arith.muli %arg1, %mul3A : i32
    %add3A = arith.addi %mul3A_0, %arg0 : i32
    %mul3A_1 = arith.constant 8 : i32
    %mul3A_2 = arith.muli %add3A, %mul3A_1 : i32
    %add3A_3 = arith.constant 744 : i32
    %add3A_4 = arith.addi %add3A_3, %mul3A_2 : i32
    "tpu.region"() ({
      %run_scoped3A = tpu.sem_alloc : memref<!tpu.dma_semaphore, #tpu.memory_space<semaphore_mem>>
      tpu.enqueue_dma source(%arg3 : memref<16384xi32, #tpu.memory_space<hbm>>) target(%arg5 : memref<16384xi32, #tpu.memory_space<vmem>>) target_semaphore(%run_scoped3A : memref<!tpu.dma_semaphore, #tpu.memory_space<semaphore_mem>>)
      tpu.wait_dma2 semaphore(%run_scoped3A : memref<!tpu.dma_semaphore, #tpu.memory_space<semaphore_mem>>) src(%arg3 : memref<16384xi32, #tpu.memory_space<hbm>>) dst(%arg5 : memref<16384xi32, #tpu.memory_space<vmem>>)
      tpu.yield
    }) : () -> ()
    %broadcast_in_dim3A = arith.constant 0.000000e+00 : f32
    %broadcast_in_dim3A_5 = vector.broadcast %broadcast_in_dim3A : f32 to vector<16xf32>
    %add3A_6 = arith.constant 0 : i32
    %add3A_7 = arith.addi %add3A_4, %add3A_6 : i32
    "tpu.region"() ({
      %run_scoped3A = tpu.sem_alloc : memref<!tpu.dma_semaphore, #tpu.memory_space<semaphore_mem>>
      %dma_start3A = arith.constant 0 : i32
      %dma_start3A_56 = tpu.memref_slice %arg2[%add3A_7, %dma_start3A] : memref<1000x16384xf32, #tpu.memory_space<hbm>> -> memref<2x16384xf32, #tpu.memory_space<hbm>>
      %dma_start3A_57 = arith.constant 0 : i32
      %dma_start3A_58 = tpu.memref_slice %arg2[%add3A_7, %dma_start3A_57] : memref<1000x16384xf32, #tpu.memory_space<hbm>> -> memref<2x16384xf32, #tpu.memory_space<hbm>>
      tpu.enqueue_dma source(%dma_start3A_58 : memref<2x16384xf32, #tpu.memory_space<hbm>>) target(%arg6 : memref<2x16384xf32, #tpu.memory_space<vmem>>) target_semaphore(%run_scoped3A : memref<!tpu.dma_semaphore, #tpu.memory_space<semaphore_mem>>)
      %dma_wait3A = arith.constant 0 : i32
      %dma_wait3A_59 = tpu.memref_slice %arg2[%add3A_7, %dma_wait3A] : memref<1000x16384xf32, #tpu.memory_space<hbm>> -> memref<2x16384xf32, #tpu.memory_space<hbm>>
      %dma_wait3A_60 = arith.constant 0 : i32
      %dma_wait3A_61 = tpu.memref_slice %arg2[%add3A_7, %dma_wait3A_60] : memref<1000x16384xf32, #tpu.memory_space<hbm>> -> memref<2x16384xf32, #tpu.memory_space<hbm>>
      tpu.wait_dma2 semaphore(%run_scoped3A : memref<!tpu.dma_semaphore, #tpu.memory_space<semaphore_mem>>) src(%dma_wait3A_61 : memref<2x16384xf32, #tpu.memory_space<hbm>>) dst(%arg6 : memref<2x16384xf32, #tpu.memory_space<vmem>>)
      tpu.yield
    }) : () -> ()
    %add3A_8 = arith.constant 0 : i32
    %add3A_9 = arith.addi %add3A_4, %add3A_8 : i32
    %add3A_10 = arith.constant 1 : i32
    %add3A_11 = arith.addi %add3A_9, %add3A_10 : i32
    %scan3A = arith.constant 0 : i32
    %scan3A_12 = arith.constant 1024 : i32
    %scan3A_13 = arith.addi %scan3A, %scan3A_12 : i32
    %scan3A_14 = arith.constant 1 : i32
    %scan3A_15 = scf.for %scan3A_56 = %scan3A to %scan3A_13 step %scan3A_14 iter_args(%scan3A_57 = %broadcast_in_dim3A_5) -> (vector<16xf32>)  : i32 {
      %mul3A_58 = arith.constant 16 : i32
      %mul3A_59 = arith.muli %scan3A_56, %mul3A_58 : i32
      %get3A = arith.index_cast %mul3A_59 : i32 to index
      %get3A_60 = tpu.vector_load %arg5[%get3A] {strides = array<i32>} : memref<16384xi32, #tpu.memory_space<vmem>>, vector<16xi32>,
      %get3A_61 = vector.shape_cast %get3A_60 : vector<16xi32> to vector<16xi32>
      %get3A_62 = arith.constant 0 : i32
      %get3A_63 = arith.index_cast %get3A_62 : i32 to index
      %get3A_64 = arith.index_cast %mul3A_59 : i32 to index
      %get3A_65 = tpu.vector_load %arg6[%get3A_63, %get3A_64] {strides = array<i32>} : memref<2x16384xf32, #tpu.memory_space<vmem>>, vector<1x16xf32>,
      %get3A_66 = vector.shape_cast %get3A_65 : vector<1x16xf32> to vector<16xf32>
      %get3A_67 = arith.constant 1 : i32
      %get3A_68 = arith.index_cast %get3A_67 : i32 to index
      %get3A_69 = arith.index_cast %mul3A_59 : i32 to index
      %get3A_70 = tpu.vector_load %arg6[%get3A_68, %get3A_69] {strides = array<i32>} : memref<2x16384xf32, #tpu.memory_space<vmem>>, vector<1x16xf32>,
      %get3A_71 = vector.shape_cast %get3A_70 : vector<1x16xf32> to vector<16xf32>
      %eq3A = vector.broadcast %add3A_9 : i32 to vector<16xi32>
      %eq3A_72 = arith.cmpi eq, %get3A_61, %eq3A : vector<16xi32>
      %jit3A = arith.constant -0.899999976 : f32
      %jit3A_73 = arith.constant -1.00200399E-4 : f32
      %broadcast_in_dim3A_74 = vector.broadcast %jit3A : f32 to vector<16xf32>
      %broadcast_in_dim3A_75 = vector.broadcast %jit3A_73 : f32 to vector<16xf32>
      %select_n3A = arith.select %eq3A_72, %broadcast_in_dim3A_74, %broadcast_in_dim3A_75 : vector<16xi1>, vector<16xf32>
      %eq3A_76 = vector.broadcast %add3A_11 : i32 to vector<16xi32>
      %eq3A_77 = arith.cmpi eq, %get3A_61, %eq3A_76 : vector<16xi32>
      %jit3A_78 = arith.constant -0.899999976 : f32
      %jit3A_79 = arith.constant -1.00200399E-4 : f32
      %broadcast_in_dim3A_80 = vector.broadcast %jit3A_78 : f32 to vector<16xf32>
      %broadcast_in_dim3A_81 = vector.broadcast %jit3A_79 : f32 to vector<16xf32>
      %select_n3A_82 = arith.select %eq3A_77, %broadcast_in_dim3A_80, %broadcast_in_dim3A_81 : vector<16xi1>, vector<16xf32>
      %mul3A_83 = arith.mulf %get3A_66, %select_n3A : vector<16xf32>
      %mul3A_84 = arith.mulf %get3A_71, %select_n3A_82 : vector<16xf32>
      %add3A_85 = arith.addf %mul3A_83, %mul3A_84 : vector<16xf32>
      %ne3A = arith.constant 0 : i32
      %ne3A_86 = vector.broadcast %ne3A : i32 to vector<16xi32>
      %ne3A_87 = arith.cmpi ne, %get3A_61, %ne3A_86 : vector<16xi32>
      %jit3A_88 = arith.constant 0.000000e+00 : f32
      %broadcast_in_dim3A_89 = vector.broadcast %jit3A_88 : f32 to vector<16xf32>
      %select_n3A_90 = arith.select %ne3A_87, %add3A_85, %broadcast_in_dim3A_89 : vector<16xi1>, vector<16xf32>
      %add3A_91 = arith.addf %scan3A_57, %select_n3A_90 : vector<16xf32>
      scf.yield %add3A_91 : vector<16xf32>
    }
    %scan3A_16 = arith.constant 1024 : i32
    %add3A_17 = arith.constant 2 : i32
    %add3A_18 = arith.addi %add3A_4, %add3A_17 : i32
    "tpu.region"() ({
      %run_scoped3A = tpu.sem_alloc : memref<!tpu.dma_semaphore, #tpu.memory_space<semaphore_mem>>
      %dma_start3A = arith.constant 0 : i32
      %dma_start3A_56 = tpu.memref_slice %arg2[%add3A_18, %dma_start3A] : memref<1000x16384xf32, #tpu.memory_space<hbm>> -> memref<2x16384xf32, #tpu.memory_space<hbm>>
      %dma_start3A_57 = arith.constant 0 : i32
      %dma_start3A_58 = tpu.memref_slice %arg2[%add3A_18, %dma_start3A_57] : memref<1000x16384xf32, #tpu.memory_space<hbm>> -> memref<2x16384xf32, #tpu.memory_space<hbm>>
      tpu.enqueue_dma source(%dma_start3A_58 : memref<2x16384xf32, #tpu.memory_space<hbm>>) target(%arg6 : memref<2x16384xf32, #tpu.memory_space<vmem>>) target_semaphore(%run_scoped3A : memref<!tpu.dma_semaphore, #tpu.memory_space<semaphore_mem>>)
      %dma_wait3A = arith.constant 0 : i32
      %dma_wait3A_59 = tpu.memref_slice %arg2[%add3A_18, %dma_wait3A] : memref<1000x16384xf32, #tpu.memory_space<hbm>> -> memref<2x16384xf32, #tpu.memory_space<hbm>>
      %dma_wait3A_60 = arith.constant 0 : i32
      %dma_wait3A_61 = tpu.memref_slice %arg2[%add3A_18, %dma_wait3A_60] : memref<1000x16384xf32, #tpu.memory_space<hbm>> -> memref<2x16384xf32, #tpu.memory_space<hbm>>
      tpu.wait_dma2 semaphore(%run_scoped3A : memref<!tpu.dma_semaphore, #tpu.memory_space<semaphore_mem>>) src(%dma_wait3A_61 : memref<2x16384xf32, #tpu.memory_space<hbm>>) dst(%arg6 : memref<2x16384xf32, #tpu.memory_space<vmem>>)
      tpu.yield
    }) : () -> ()
    %add3A_19 = arith.constant 2 : i32
    %add3A_20 = arith.addi %add3A_4, %add3A_19 : i32
    %add3A_21 = arith.constant 1 : i32
    %add3A_22 = arith.addi %add3A_20, %add3A_21 : i32
    %scan3A_23 = arith.constant 0 : i32
    %scan3A_24 = arith.constant 1024 : i32
    %scan3A_25 = arith.addi %scan3A_23, %scan3A_24 : i32
    %scan3A_26 = arith.constant 1 : i32
    %scan3A_27 = scf.for %scan3A_56 = %scan3A_23 to %scan3A_25 step %scan3A_26 iter_args(%scan3A_57 = %scan3A_15) -> (vector<16xf32>)  : i32 {
      %mul3A_58 = arith.constant 16 : i32
      %mul3A_59 = arith.muli %scan3A_56, %mul3A_58 : i32
      %get3A = arith.index_cast %mul3A_59 : i32 to index
      %get3A_60 = tpu.vector_load %arg5[%get3A] {strides = array<i32>} : memref<16384xi32, #tpu.memory_space<vmem>>, vector<16xi32>,
      %get3A_61 = vector.shape_cast %get3A_60 : vector<16xi32> to vector<16xi32>
      %get3A_62 = arith.constant 0 : i32
      %get3A_63 = arith.index_cast %get3A_62 : i32 to index
      %get3A_64 = arith.index_cast %mul3A_59 : i32 to index
      %get3A_65 = tpu.vector_load %arg6[%get3A_63, %get3A_64] {strides = array<i32>} : memref<2x16384xf32, #tpu.memory_space<vmem>>, vector<1x16xf32>,
      %get3A_66 = vector.shape_cast %get3A_65 : vector<1x16xf32> to vector<16xf32>
      %get3A_67 = arith.constant 1 : i32
      %get3A_68 = arith.index_cast %get3A_67 : i32 to index
      %get3A_69 = arith.index_cast %mul3A_59 : i32 to index
      %get3A_70 = tpu.vector_load %arg6[%get3A_68, %get3A_69] {strides = array<i32>} : memref<2x16384xf32, #tpu.memory_space<vmem>>, vector<1x16xf32>,
      %get3A_71 = vector.shape_cast %get3A_70 : vector<1x16xf32> to vector<16xf32>
      %eq3A = vector.broadcast %add3A_20 : i32 to vector<16xi32>
      %eq3A_72 = arith.cmpi eq, %get3A_61, %eq3A : vector<16xi32>
      %jit3A = arith.constant -0.899999976 : f32
      %jit3A_73 = arith.constant -1.00200399E-4 : f32
      %broadcast_in_dim3A_74 = vector.broadcast %jit3A : f32 to vector<16xf32>
      %broadcast_in_dim3A_75 = vector.broadcast %jit3A_73 : f32 to vector<16xf32>
      %select_n3A = arith.select %eq3A_72, %broadcast_in_dim3A_74, %broadcast_in_dim3A_75 : vector<16xi1>, vector<16xf32>
      %eq3A_76 = vector.broadcast %add3A_22 : i32 to vector<16xi32>
      %eq3A_77 = arith.cmpi eq, %get3A_61, %eq3A_76 : vector<16xi32>
      %jit3A_78 = arith.constant -0.899999976 : f32
      %jit3A_79 = arith.constant -1.00200399E-4 : f32
      %broadcast_in_dim3A_80 = vector.broadcast %jit3A_78 : f32 to vector<16xf32>
      %broadcast_in_dim3A_81 = vector.broadcast %jit3A_79 : f32 to vector<16xf32>
      %select_n3A_82 = arith.select %eq3A_77, %broadcast_in_dim3A_80, %broadcast_in_dim3A_81 : vector<16xi1>, vector<16xf32>
      %mul3A_83 = arith.mulf %get3A_66, %select_n3A : vector<16xf32>
      %mul3A_84 = arith.mulf %get3A_71, %select_n3A_82 : vector<16xf32>
      %add3A_85 = arith.addf %mul3A_83, %mul3A_84 : vector<16xf32>
      %ne3A = arith.constant 0 : i32
      %ne3A_86 = vector.broadcast %ne3A : i32 to vector<16xi32>
      %ne3A_87 = arith.cmpi ne, %get3A_61, %ne3A_86 : vector<16xi32>
      %jit3A_88 = arith.constant 0.000000e+00 : f32
      %broadcast_in_dim3A_89 = vector.broadcast %jit3A_88 : f32 to vector<16xf32>
      %select_n3A_90 = arith.select %ne3A_87, %add3A_85, %broadcast_in_dim3A_89 : vector<16xi1>, vector<16xf32>
      %add3A_91 = arith.addf %scan3A_57, %select_n3A_90 : vector<16xf32>
      scf.yield %add3A_91 : vector<16xf32>
    }
    %scan3A_28 = arith.constant 1024 : i32
    %add3A_29 = arith.constant 4 : i32
    %add3A_30 = arith.addi %add3A_4, %add3A_29 : i32
    "tpu.region"() ({
      %run_scoped3A = tpu.sem_alloc : memref<!tpu.dma_semaphore, #tpu.memory_space<semaphore_mem>>
      %dma_start3A = arith.constant 0 : i32
      %dma_start3A_56 = tpu.memref_slice %arg2[%add3A_30, %dma_start3A] : memref<1000x16384xf32, #tpu.memory_space<hbm>> -> memref<2x16384xf32, #tpu.memory_space<hbm>>
      %dma_start3A_57 = arith.constant 0 : i32
      %dma_start3A_58 = tpu.memref_slice %arg2[%add3A_30, %dma_start3A_57] : memref<1000x16384xf32, #tpu.memory_space<hbm>> -> memref<2x16384xf32, #tpu.memory_space<hbm>>
      tpu.enqueue_dma source(%dma_start3A_58 : memref<2x16384xf32, #tpu.memory_space<hbm>>) target(%arg6 : memref<2x16384xf32, #tpu.memory_space<vmem>>) target_semaphore(%run_scoped3A : memref<!tpu.dma_semaphore, #tpu.memory_space<semaphore_mem>>)
      %dma_wait3A = arith.constant 0 : i32
      %dma_wait3A_59 = tpu.memref_slice %arg2[%add3A_30, %dma_wait3A] : memref<1000x16384xf32, #tpu.memory_space<hbm>> -> memref<2x16384xf32, #tpu.memory_space<hbm>>
      %dma_wait3A_60 = arith.constant 0 : i32
      %dma_wait3A_61 = tpu.memref_slice %arg2[%add3A_30, %dma_wait3A_60] : memref<1000x16384xf32, #tpu.memory_space<hbm>> -> memref<2x16384xf32, #tpu.memory_space<hbm>>
      tpu.wait_dma2 semaphore(%run_scoped3A : memref<!tpu.dma_semaphore, #tpu.memory_space<semaphore_mem>>) src(%dma_wait3A_61 : memref<2x16384xf32, #tpu.memory_space<hbm>>) dst(%arg6 : memref<2x16384xf32, #tpu.memory_space<vmem>>)
      tpu.yield
    }) : () -> ()
    %add3A_31 = arith.constant 4 : i32
    %add3A_32 = arith.addi %add3A_4, %add3A_31 : i32
    %add3A_33 = arith.constant 1 : i32
    %add3A_34 = arith.addi %add3A_32, %add3A_33 : i32
    %scan3A_35 = arith.constant 0 : i32
    %scan3A_36 = arith.constant 1024 : i32
    %scan3A_37 = arith.addi %scan3A_35, %scan3A_36 : i32
    %scan3A_38 = arith.constant 1 : i32
    %scan3A_39 = scf.for %scan3A_56 = %scan3A_35 to %scan3A_37 step %scan3A_38 iter_args(%scan3A_57 = %scan3A_27) -> (vector<16xf32>)  : i32 {
      %mul3A_58 = arith.constant 16 : i32
      %mul3A_59 = arith.muli %scan3A_56, %mul3A_58 : i32
      %get3A = arith.index_cast %mul3A_59 : i32 to index
      %get3A_60 = tpu.vector_load %arg5[%get3A] {strides = array<i32>} : memref<16384xi32, #tpu.memory_space<vmem>>, vector<16xi32>,
      %get3A_61 = vector.shape_cast %get3A_60 : vector<16xi32> to vector<16xi32>
      %get3A_62 = arith.constant 0 : i32
      %get3A_63 = arith.index_cast %get3A_62 : i32 to index
      %get3A_64 = arith.index_cast %mul3A_59 : i32 to index
      %get3A_65 = tpu.vector_load %arg6[%get3A_63, %get3A_64] {strides = array<i32>} : memref<2x16384xf32, #tpu.memory_space<vmem>>, vector<1x16xf32>,
      %get3A_66 = vector.shape_cast %get3A_65 : vector<1x16xf32> to vector<16xf32>
      %get3A_67 = arith.constant 1 : i32
      %get3A_68 = arith.index_cast %get3A_67 : i32 to index
      %get3A_69 = arith.index_cast %mul3A_59 : i32 to index
      %get3A_70 = tpu.vector_load %arg6[%get3A_68, %get3A_69] {strides = array<i32>} : memref<2x16384xf32, #tpu.memory_space<vmem>>, vector<1x16xf32>,
      %get3A_71 = vector.shape_cast %get3A_70 : vector<1x16xf32> to vector<16xf32>
      %eq3A = vector.broadcast %add3A_32 : i32 to vector<16xi32>
      %eq3A_72 = arith.cmpi eq, %get3A_61, %eq3A : vector<16xi32>
      %jit3A = arith.constant -0.899999976 : f32
      %jit3A_73 = arith.constant -1.00200399E-4 : f32
      %broadcast_in_dim3A_74 = vector.broadcast %jit3A : f32 to vector<16xf32>
      %broadcast_in_dim3A_75 = vector.broadcast %jit3A_73 : f32 to vector<16xf32>
      %select_n3A = arith.select %eq3A_72, %broadcast_in_dim3A_74, %broadcast_in_dim3A_75 : vector<16xi1>, vector<16xf32>
      %eq3A_76 = vector.broadcast %add3A_34 : i32 to vector<16xi32>
      %eq3A_77 = arith.cmpi eq, %get3A_61, %eq3A_76 : vector<16xi32>
      %jit3A_78 = arith.constant -0.899999976 : f32
      %jit3A_79 = arith.constant -1.00200399E-4 : f32
      %broadcast_in_dim3A_80 = vector.broadcast %jit3A_78 : f32 to vector<16xf32>
      %broadcast_in_dim3A_81 = vector.broadcast %jit3A_79 : f32 to vector<16xf32>
      %select_n3A_82 = arith.select %eq3A_77, %broadcast_in_dim3A_80, %broadcast_in_dim3A_81 : vector<16xi1>, vector<16xf32>
      %mul3A_83 = arith.mulf %get3A_66, %select_n3A : vector<16xf32>
      %mul3A_84 = arith.mulf %get3A_71, %select_n3A_82 : vector<16xf32>
      %add3A_85 = arith.addf %mul3A_83, %mul3A_84 : vector<16xf32>
      %ne3A = arith.constant 0 : i32
      %ne3A_86 = vector.broadcast %ne3A : i32 to vector<16xi32>
      %ne3A_87 = arith.cmpi ne, %get3A_61, %ne3A_86 : vector<16xi32>
      %jit3A_88 = arith.constant 0.000000e+00 : f32
      %broadcast_in_dim3A_89 = vector.broadcast %jit3A_88 : f32 to vector<16xf32>
      %select_n3A_90 = arith.select %ne3A_87, %add3A_85, %broadcast_in_dim3A_89 : vector<16xi1>, vector<16xf32>
      %add3A_91 = arith.addf %scan3A_57, %select_n3A_90 : vector<16xf32>
      scf.yield %add3A_91 : vector<16xf32>
    }
    %scan3A_40 = arith.constant 1024 : i32
    %add3A_41 = arith.constant 6 : i32
    %add3A_42 = arith.addi %add3A_4, %add3A_41 : i32
    "tpu.region"() ({
      %run_scoped3A = tpu.sem_alloc : memref<!tpu.dma_semaphore, #tpu.memory_space<semaphore_mem>>
      %dma_start3A = arith.constant 0 : i32
      %dma_start3A_56 = tpu.memref_slice %arg2[%add3A_42, %dma_start3A] : memref<1000x16384xf32, #tpu.memory_space<hbm>> -> memref<2x16384xf32, #tpu.memory_space<hbm>>
      %dma_start3A_57 = arith.constant 0 : i32
      %dma_start3A_58 = tpu.memref_slice %arg2[%add3A_42, %dma_start3A_57] : memref<1000x16384xf32, #tpu.memory_space<hbm>> -> memref<2x16384xf32, #tpu.memory_space<hbm>>
      tpu.enqueue_dma source(%dma_start3A_58 : memref<2x16384xf32, #tpu.memory_space<hbm>>) target(%arg6 : memref<2x16384xf32, #tpu.memory_space<vmem>>) target_semaphore(%run_scoped3A : memref<!tpu.dma_semaphore, #tpu.memory_space<semaphore_mem>>)
      %dma_wait3A = arith.constant 0 : i32
      %dma_wait3A_59 = tpu.memref_slice %arg2[%add3A_42, %dma_wait3A] : memref<1000x16384xf32, #tpu.memory_space<hbm>> -> memref<2x16384xf32, #tpu.memory_space<hbm>>
      %dma_wait3A_60 = arith.constant 0 : i32
      %dma_wait3A_61 = tpu.memref_slice %arg2[%add3A_42, %dma_wait3A_60] : memref<1000x16384xf32, #tpu.memory_space<hbm>> -> memref<2x16384xf32, #tpu.memory_space<hbm>>
      tpu.wait_dma2 semaphore(%run_scoped3A : memref<!tpu.dma_semaphore, #tpu.memory_space<semaphore_mem>>) src(%dma_wait3A_61 : memref<2x16384xf32, #tpu.memory_space<hbm>>) dst(%arg6 : memref<2x16384xf32, #tpu.memory_space<vmem>>)
      tpu.yield
    }) : () -> ()
    %add3A_43 = arith.constant 6 : i32
    %add3A_44 = arith.addi %add3A_4, %add3A_43 : i32
    %add3A_45 = arith.constant 1 : i32
    %add3A_46 = arith.addi %add3A_44, %add3A_45 : i32
    %scan3A_47 = arith.constant 0 : i32
    %scan3A_48 = arith.constant 1024 : i32
    %scan3A_49 = arith.addi %scan3A_47, %scan3A_48 : i32
    %scan3A_50 = arith.constant 1 : i32
    %scan3A_51 = scf.for %scan3A_56 = %scan3A_47 to %scan3A_49 step %scan3A_50 iter_args(%scan3A_57 = %scan3A_39) -> (vector<16xf32>)  : i32 {
      %mul3A_58 = arith.constant 16 : i32
      %mul3A_59 = arith.muli %scan3A_56, %mul3A_58 : i32
      %get3A = arith.index_cast %mul3A_59 : i32 to index
      %get3A_60 = tpu.vector_load %arg5[%get3A] {strides = array<i32>} : memref<16384xi32, #tpu.memory_space<vmem>>, vector<16xi32>,
      %get3A_61 = vector.shape_cast %get3A_60 : vector<16xi32> to vector<16xi32>
      %get3A_62 = arith.constant 0 : i32
      %get3A_63 = arith.index_cast %get3A_62 : i32 to index
      %get3A_64 = arith.index_cast %mul3A_59 : i32 to index
      %get3A_65 = tpu.vector_load %arg6[%get3A_63, %get3A_64] {strides = array<i32>} : memref<2x16384xf32, #tpu.memory_space<vmem>>, vector<1x16xf32>,
      %get3A_66 = vector.shape_cast %get3A_65 : vector<1x16xf32> to vector<16xf32>
      %get3A_67 = arith.constant 1 : i32
      %get3A_68 = arith.index_cast %get3A_67 : i32 to index
      %get3A_69 = arith.index_cast %mul3A_59 : i32 to index
      %get3A_70 = tpu.vector_load %arg6[%get3A_68, %get3A_69] {strides = array<i32>} : memref<2x16384xf32, #tpu.memory_space<vmem>>, vector<1x16xf32>,
      %get3A_71 = vector.shape_cast %get3A_70 : vector<1x16xf32> to vector<16xf32>
      %eq3A = vector.broadcast %add3A_44 : i32 to vector<16xi32>
      %eq3A_72 = arith.cmpi eq, %get3A_61, %eq3A : vector<16xi32>
      %jit3A = arith.constant -0.899999976 : f32
      %jit3A_73 = arith.constant -1.00200399E-4 : f32
      %broadcast_in_dim3A_74 = vector.broadcast %jit3A : f32 to vector<16xf32>
      %broadcast_in_dim3A_75 = vector.broadcast %jit3A_73 : f32 to vector<16xf32>
      %select_n3A = arith.select %eq3A_72, %broadcast_in_dim3A_74, %broadcast_in_dim3A_75 : vector<16xi1>, vector<16xf32>
      %eq3A_76 = vector.broadcast %add3A_46 : i32 to vector<16xi32>
      %eq3A_77 = arith.cmpi eq, %get3A_61, %eq3A_76 : vector<16xi32>
      %jit3A_78 = arith.constant -0.899999976 : f32
      %jit3A_79 = arith.constant -1.00200399E-4 : f32
      %broadcast_in_dim3A_80 = vector.broadcast %jit3A_78 : f32 to vector<16xf32>
      %broadcast_in_dim3A_81 = vector.broadcast %jit3A_79 : f32 to vector<16xf32>
      %select_n3A_82 = arith.select %eq3A_77, %broadcast_in_dim3A_80, %broadcast_in_dim3A_81 : vector<16xi1>, vector<16xf32>
      %mul3A_83 = arith.mulf %get3A_66, %select_n3A : vector<16xf32>
      %mul3A_84 = arith.mulf %get3A_71, %select_n3A_82 : vector<16xf32>
      %add3A_85 = arith.addf %mul3A_83, %mul3A_84 : vector<16xf32>
      %ne3A = arith.constant 0 : i32
      %ne3A_86 = vector.broadcast %ne3A : i32 to vector<16xi32>
      %ne3A_87 = arith.cmpi ne, %get3A_61, %ne3A_86 : vector<16xi32>
      %jit3A_88 = arith.constant 0.000000e+00 : f32
      %broadcast_in_dim3A_89 = vector.broadcast %jit3A_88 : f32 to vector<16xf32>
      %select_n3A_90 = arith.select %ne3A_87, %add3A_85, %broadcast_in_dim3A_89 : vector<16xi1>, vector<16xf32>
      %add3A_91 = arith.addf %scan3A_57, %select_n3A_90 : vector<16xf32>
      scf.yield %add3A_91 : vector<16xf32>
    }
    %scan3A_52 = arith.constant 1024 : i32
    %swap3A = arith.constant 0 : index
    %swap3A_53 = tpu.vector_load %arg7[%swap3A] {strides = array<i32>} : memref<16xf32, #tpu.memory_space<vmem>>, vector<16xf32>,
    %swap3A_54 = vector.shape_cast %swap3A_53 : vector<16xf32> to vector<16xf32>
    %swap3A_55 = vector.shape_cast %scan3A_51 : vector<16xf32> to vector<16xf32>
    tpu.vector_store %arg7[%swap3A], %swap3A_55 {strides = array<i32>} : memref<16xf32, #tpu.memory_space<vmem>>, vector<16xf32>,
    "tpu.region"() ({
      %run_scoped3A = tpu.sem_alloc : memref<!tpu.dma_semaphore, #tpu.memory_space<semaphore_mem>>
      %dma_start3A = arith.constant 0 : i32
      %dma_start3A_56 = tpu.memref_slice %arg4[%add3A, %dma_start3A] : memref<32x16xf32, #tpu.memory_space<hbm>> -> memref<1x16xf32, #tpu.memory_space<hbm>>
      %dma_start3A_57 = tpu.memref_squeeze %dma_start3A_56 : memref<1x16xf32, #tpu.memory_space<hbm>> -> memref<16xf32, #tpu.memory_space<hbm>>
      %dma_start3A_58 = arith.constant 0 : i32
      %dma_start3A_59 = tpu.memref_slice %arg4[%add3A, %dma_start3A_58] : memref<32x16xf32, #tpu.memory_space<hbm>> -> memref<1x16xf32, #tpu.memory_space<hbm>>
      %dma_start3A_60 = tpu.memref_squeeze %dma_start3A_59 : memref<1x16xf32, #tpu.memory_space<hbm>> -> memref<16xf32, #tpu.memory_space<hbm>>
      tpu.enqueue_dma source(%arg7 : memref<16xf32, #tpu.memory_space<vmem>>) target(%dma_start3A_60 : memref<16xf32, #tpu.memory_space<hbm>>) target_semaphore(%run_scoped3A : memref<!tpu.dma_semaphore, #tpu.memory_space<semaphore_mem>>)
      %dma_wait3A = arith.constant 0 : i32
      %dma_wait3A_61 = tpu.memref_slice %arg4[%add3A, %dma_wait3A] : memref<32x16xf32, #tpu.memory_space<hbm>> -> memref<1x16xf32, #tpu.memory_space<hbm>>
      %dma_wait3A_62 = tpu.memref_squeeze %dma_wait3A_61 : memref<1x16xf32, #tpu.memory_space<hbm>> -> memref<16xf32, #tpu.memory_space<hbm>>
      %dma_wait3A_63 = arith.constant 0 : i32
      %dma_wait3A_64 = tpu.memref_slice %arg4[%add3A, %dma_wait3A_63] : memref<32x16xf32, #tpu.memory_space<hbm>> -> memref<1x16xf32, #tpu.memory_space<hbm>>
      %dma_wait3A_65 = tpu.memref_squeeze %dma_wait3A_64 : memref<1x16xf32, #tpu.memory_space<hbm>> -> memref<16xf32, #tpu.memory_space<hbm>>
      tpu.wait_dma2 semaphore(%run_scoped3A : memref<!tpu.dma_semaphore, #tpu.memory_space<semaphore_mem>>) src(%arg7 : memref<16xf32, #tpu.memory_space<vmem>>) dst(%dma_wait3A_65 : memref<16xf32, #tpu.memory_space<hbm>>)
      tpu.yield
    }) : () -> ()
    return
  }
}

module attributes {stable_mosaic.version = 14 : i64} {
  func.func @_tc_body(%arg0: i32, %arg1: memref<744x2048xf32, #tpu.memory_space<vmem>>, %arg2: memref<1x2048xi32, #tpu.memory_space<vmem>>, %arg3: memref<1x1xf32, #tpu.memory_space<smem>>, %arg4: memref<1x1xf32, #tpu.memory_space<smem>>) attributes {dimension_semantics = [#tpu.dimension_semantics<arbitrary>], iteration_bounds = array<i64: 8>, scalar_prefetch = 0 : i64, scratch_operands = 0 : i64, tpu.core_type = #tpu.core_type<tc>, window_params = [{transform_indices = @transform_0, window_bounds = array<i64: 744, 2048>}, {transform_indices = @transform_1, window_bounds = array<i64: 1, 2048>}, {transform_indices = @transform_2, window_bounds = array<i64: 1, 1>}, {transform_indices = @transform_3, window_bounds = array<i64: 1, 1>}]} {
    %eq3A = arith.constant 0 : i32
    %eq3A_0 = arith.cmpi eq, %arg0, %eq3A : i32
    %convert_element_type3A = arith.extui %eq3A_0 : i1 to i32
    %cond3A = arith.constant 0 : i32
    %cond3A_1 = arith.cmpi ne, %convert_element_type3A, %cond3A : i32
    scf.if %cond3A_1 {
      %swap3A_47 = arith.constant 0.000000e+00 : f32
      %swap3A_48 = arith.constant 0 : index
      %swap3A_49 = arith.constant 0 : index
      %swap3A_50 = memref.load %arg3[%swap3A_48, %swap3A_49] : memref<1x1xf32, #tpu.memory_space<smem>>
      memref.store %swap3A_47, %arg3[%swap3A_48, %swap3A_49] : memref<1x1xf32, #tpu.memory_space<smem>>
      %swap3A_51 = arith.constant 0.000000e+00 : f32
      %swap3A_52 = arith.constant 0 : index
      %swap3A_53 = arith.constant 0 : index
      %swap3A_54 = memref.load %arg4[%swap3A_52, %swap3A_53] : memref<1x1xf32, #tpu.memory_space<smem>>
      memref.store %swap3A_51, %arg4[%swap3A_52, %swap3A_53] : memref<1x1xf32, #tpu.memory_space<smem>>
    } else {
    }
    %get3A = arith.constant 0 : index
    %get3A_2 = arith.constant 0 : index
    %get3A_3 = vector.load %arg1[%get3A, %get3A_2] : memref<744x2048xf32, #tpu.memory_space<vmem>>, vector<744x2048xf32>
    %get3A_4 = arith.constant 0 : index
    %get3A_5 = arith.constant 0 : index
    %get3A_6 = vector.load %arg2[%get3A_4, %get3A_5] : memref<1x2048xi32, #tpu.memory_space<vmem>>, vector<1x2048xi32>
    %ne3A = arith.constant 0 : i32
    %ne3A_7 = vector.broadcast %ne3A : i32 to vector<1x2048xi32>
    %ne3A_8 = arith.cmpi ne, %get3A_6, %ne3A_7 : vector<1x2048xi32>
    %iota3A = tpu.iota {dimensions = array<i32: 0>} : vector<744x2048xi32>
    %eq3A_9 = vector.broadcast %get3A_6 : vector<1x2048xi32> to vector<744x2048xi32>
    %eq3A_10 = arith.cmpi eq, %iota3A, %eq3A_9 : vector<744x2048xi32>
    %jit3A = arith.constant -0.899999976 : f32
    %jit3A_11 = arith.constant -1.00200399E-4 : f32
    %broadcast_in_dim3A = vector.broadcast %jit3A : f32 to vector<744x2048xf32>
    %broadcast_in_dim3A_12 = vector.broadcast %jit3A_11 : f32 to vector<744x2048xf32>
    %select_n3A = arith.select %eq3A_10, %broadcast_in_dim3A, %broadcast_in_dim3A_12 : vector<744x2048xi1>, vector<744x2048xf32>
    %eq3A_13 = arith.constant 0 : i32
    %eq3A_14 = vector.broadcast %eq3A_13 : i32 to vector<744x2048xi32>
    %eq3A_15 = arith.cmpi eq, %iota3A, %eq3A_14 : vector<744x2048xi32>
    %not3A = arith.constant dense<true> : vector<1x2048xi1>
    %not3A_16 = arith.xori %ne3A_8, %not3A : vector<1x2048xi1>
    %or3A = vector.broadcast %not3A_16 : vector<1x2048xi1> to vector<744x2048xi1>
    %or3A_17 = arith.ori %eq3A_15, %or3A : vector<744x2048xi1>
    %jit3A_18 = arith.constant 0.000000e+00 : f32
    %broadcast_in_dim3A_19 = vector.broadcast %jit3A_18 : f32 to vector<744x2048xf32>
    %select_n3A_20 = arith.select %or3A_17, %broadcast_in_dim3A_19, %select_n3A : vector<744x2048xi1>, vector<744x2048xf32>
    %get3A_21 = arith.constant 0 : index
    %get3A_22 = arith.constant 0 : index
    %get3A_23 = memref.load %arg3[%get3A_21, %get3A_22] : memref<1x1xf32, #tpu.memory_space<smem>>
    %mul3A = arith.mulf %get3A_3, %select_n3A_20 : vector<744x2048xf32>
    %reduce_sum3A = vector.shape_cast %mul3A : vector<744x2048xf32> to vector<1x744x2048xf32>
    %reduce_sum3A_24 = arith.constant dense<0.000000e+00> : vector<1xf32>
    %reduce_sum3A_25 = vector.multi_reduction <add>, %reduce_sum3A, %reduce_sum3A_24 [1, 2] : vector<1x744x2048xf32> to vector<1xf32>
    %reduce_sum3A_26 = vector.shape_cast %reduce_sum3A_25 : vector<1xf32> to vector<1x1x1xf32>
    %reduce_sum3A_27 = vector.extract %reduce_sum3A_26[0, 0, 0] : f32 from vector<1x1x1xf32>
    %add3A = arith.addf %get3A_23, %reduce_sum3A_27 : f32
    %swap3A = arith.constant 0 : index
    %swap3A_28 = arith.constant 0 : index
    %swap3A_29 = memref.load %arg3[%swap3A, %swap3A_28] : memref<1x1xf32, #tpu.memory_space<smem>>
    memref.store %add3A, %arg3[%swap3A, %swap3A_28] : memref<1x1xf32, #tpu.memory_space<smem>>
    %get3A_30 = arith.constant 0 : index
    %get3A_31 = arith.constant 0 : index
    %get3A_32 = memref.load %arg4[%get3A_30, %get3A_31] : memref<1x1xf32, #tpu.memory_space<smem>>
    %jit3A_33 = arith.constant 1.000000e+00 : f32
    %jit3A_34 = arith.constant 0.000000e+00 : f32
    %broadcast_in_dim3A_35 = vector.broadcast %jit3A_33 : f32 to vector<1x2048xf32>
    %broadcast_in_dim3A_36 = vector.broadcast %jit3A_34 : f32 to vector<1x2048xf32>
    %select_n3A_37 = arith.select %ne3A_8, %broadcast_in_dim3A_35, %broadcast_in_dim3A_36 : vector<1x2048xi1>, vector<1x2048xf32>
    %reduce_sum3A_38 = vector.shape_cast %select_n3A_37 : vector<1x2048xf32> to vector<1x1x2048xf32>
    %reduce_sum3A_39 = arith.constant dense<0.000000e+00> : vector<1xf32>
    %reduce_sum3A_40 = vector.multi_reduction <add>, %reduce_sum3A_38, %reduce_sum3A_39 [1, 2] : vector<1x1x2048xf32> to vector<1xf32>
    %reduce_sum3A_41 = vector.shape_cast %reduce_sum3A_40 : vector<1xf32> to vector<1x1x1xf32>
    %reduce_sum3A_42 = vector.extract %reduce_sum3A_41[0, 0, 0] : f32 from vector<1x1x1xf32>
    %add3A_43 = arith.addf %get3A_32, %reduce_sum3A_42 : f32
    %swap3A_44 = arith.constant 0 : index
    %swap3A_45 = arith.constant 0 : index
    %swap3A_46 = memref.load %arg4[%swap3A_44, %swap3A_45] : memref<1x1xf32, #tpu.memory_space<smem>>
    memref.store %add3A_43, %arg4[%swap3A_44, %swap3A_45] : memref<1x1xf32, #tpu.memory_space<smem>>
    return
  }
  func.func @transform_0(%arg0: i32) -> (i32, i32) {
    %c0_i32 = arith.constant 0 : i32
    %c0_i32_0 = arith.constant 0 : i32
    return %c0_i32, %arg0 : i32, i32
  }
  func.func @transform_1(%arg0: i32) -> (i32, i32) {
    %c0_i32 = arith.constant 0 : i32
    %c0_i32_0 = arith.constant 0 : i32
    return %c0_i32, %arg0 : i32, i32
  }
  func.func @transform_2(%arg0: i32) -> (i32, i32) {
    %c0_i32 = arith.constant 0 : i32
    %c0_i32_0 = arith.constant 0 : i32
    %c0_i32_1 = arith.constant 0 : i32
    return %c0_i32, %c0_i32_0 : i32, i32
  }
  func.func @transform_3(%arg0: i32) -> (i32, i32) {
    %c0_i32 = arith.constant 0 : i32
    %c0_i32_0 = arith.constant 0 : i32
    %c0_i32_1 = arith.constant 0 : i32
    return %c0_i32, %c0_i32_0 : i32, i32
  }
}

</mosaic_0001>

<sc_bundles>
// kernel: kernel.4.cloned.1.call-start
scs
__scs_entry_jumppad:
0x0: {  	(pc) =	sbr.rel $0x88, $3  }
0x1: {  	(tag) =	ssettag $0x0;
	lr =	simm.s32 $0x1  }
0x2: {  	[smem:$0x3F9F] =	sst lr;
	_ =	strace $0xD0000000  }
0x3: {  	_ = 	snop  }
0x4: {  	_ = 	snop  }
0x5: {  	_ = 	snop  }
0x6: {  	_ = 	snop  }
0x7: {  	_ = 	snop  }
__scs_overlays_trampoline_lowered:
0x8: {  	[smem:$0x3FAE] =	sst s0  }
0x9: {  	[smem:$0x3FAF] =	sst s1  }
0xa: {  	[smem:$0x3FB0] =	sst s2  }
0xb: {  	[smem:$0x3FB1] =	sst s3  }
0xc: {  	[smem:$0x3FB2] =	sst s4  }
0xd: {  	[smem:$0x3FB3] =	sst s5  }
0xe: {  	[smem:$0x3FB4] =	sst s6  }
0xf: {  	[smem:$0x3FB5] =	sst s7  }
0x10: {  	[smem:$0x3FB6] =	sst s8  }
0x11: {  	[smem:$0x3FB7] =	sst s9;
	s0 =	simm.s32 @!p0 $0x0  }
0x12: {  	s1 =	sld [smem:$0x3F9D];
	s0 =	simm.s32 @p0 $0x1  }
0x13: {  	[smem:$0x3FB8] =	sst s0;
	s0 =	simm.s32 @!p1 $0x0  }
0x14: {  	s2 =	sld [smem:$0x3F9C];
	s0 =	simm.s32 @p1 $0x1  }
0x15: {  	[smem:$0x3FB9] =	sst s0;
	s0 =	simm.s32 @!p2 $0x0  }
0x16: {  	s3 =	sld [smem:$0x3FDB];
	s0 =	simm.s32 @p2 $0x1  }
0x17: {  	s4 =	simm.s32 $0x1BF5;
	[smem:$0x3FBB] =	sst s0  }
0x18: {  	s0 =	sld [smem:$0x3F9E];
	_ =	swait.ge [sflag:s4], $0x0  }
0x19: {  	s7 =	sld [smem:$0x3F9F]  }
0x1a: {  	s8 =	sadd.s32 $0xFFFFE003, lr  }
0x1b: {  	s9 =	sadd.s32 $0xFFFFFEF7, lr;
	s5 =	simm.s32 $0xFFFFFFFF;
	p2 =	slt.u32 s8, $0xFFFFF086  }
0x1c: {  	p1 =	slt.u32 s9, $0xF7A;
	s5 =	simm.s32 @!p2 $0x0  }
0x1d: {  	s5 =	simm.s32 @p1 $0x1;
	p0 =	seq.s32 s7, s2  }
0x1e: {  	s7 =	smul.u32 @!p0 $0xF7A, s2;
	p2 =	seq.s32 @!p0 s5, $0x0  }
0x1f: {  	s9 =	smul.u32 $0xF7A, s1;
	s8 =	simm.s32 @!p0 $0x1BF5;
	p2 =	por !p2, p0  }
0x20: {  	[sflag:s8] =	ssyncset.s32 @!p0 $0xFFFFF086;
	s6 =	sadd.s32 @!p0 s3, s7;
	s7 =	simm.s32 @!p0 $0x108  }
0x21: {  	s3 =	sadd.s32 s3, s9;
	s6 =	sadd.s32 @!p0 $0x88, s6;
	s7 =	simm.s32 @p2 $0x1082  }
0x22: {  	[simem:s7], [sflag:s8] =	dma.local @!p0 [hbm:s6], $0xF7A  }
0x23: {  	s9 =	sor.u32 $0xD0000000, s2;
	s6 =	simm.s32 $0x108;
	_ =	swait.ge @!p0 [sflag:s8], $0x0  }
0x24: {  	s3 =	sadd.s32 $0x88, s3;
	s6 =	simm.s32 @!p1 $0x1082;
	[sflag:s4] =	ssyncset.s32 $0xFFFFF086  }
0x25: {  	[simem:s6], [sflag:s4] =	dma.local [hbm:s3], $0xF7A  }
0x26: {  	[smem:$0x3F9F] =	sst s1;
	(tag) =	ssettag s2;
	_ =	strace s9  }
0x27: {  	s1 =	sld [smem:$0x3FAF]  }
0x28: {  	s2 =	sld [smem:$0x3FB0]  }
0x29: {  	s4 =	sld [smem:$0x3FB2]  }
0x2a: {  	p0 =	seq.s32 s5, $0x0;
	s5 =	sld [smem:$0x3FB3]  }
0x2b: {  	s6 =	sld [smem:$0x3FB4]  }
0x2c: {  	s7 =	sld [smem:$0x3FB5]  }
0x2d: {  	s3 =	simm.s32 $0x108;
	s8 =	sld [smem:$0x3FB6]  }
0x2e: {  	s3 =	simm.s32 @!p0 $0x1082;
	s9 =	sld [smem:$0x3FB7]  }
0x2f: {  	lr =	sadd.s32 s0, s3;
	s0 =	sld [smem:$0x3FAE]  }
0x30: {  	s3 =	sld [smem:$0x3FB1]  }
0x31: {  	[smem:$0x3FBA] =	sst s10  }
0x32: {  	s10 =	sld [smem:$0x3FB8];
	_ =	sdelay $0x3  }
0x33: {  	p0 =	seq.s32 s10, $0x1;
	s10 =	sld [smem:$0x3FBA];
	_ =	sdelay $0x3  }
0x34: {  	[smem:$0x3FBA] =	sst s10  }
0x35: {  	s10 =	sld [smem:$0x3FB9];
	_ =	sdelay $0x3  }
0x36: {  	p1 =	seq.s32 s10, $0x1;
	s10 =	sld [smem:$0x3FBA];
	_ =	sdelay $0x3  }
0x37: {  	[smem:$0x3FBA] =	sst s10  }
0x38: {  	s10 =	sld [smem:$0x3FBB]  }
0x39: {  	_ = 	snop;
	(pc) =	sbr.ind lr, $3  }
0x3a: {  	_ = 	snop  }
0x3b: {  	_ = 	snop  }
0x3c: {  	p2 =	seq.s32 s10, $0x1;
	s10 =	sld [smem:$0x3FBA]  }
0x3d: {  	_ =	shalt  }
0x3e: {  	_ =	shalt  }
0x3f: {  	_ =	shalt  }
0x40: {  	_ =	shalt  }
0x41: {  	_ =	shalt  }
0x42: {  	_ =	shalt  }
0x43: {  	_ =	shalt  }
0x44: {  	_ =	shalt  }
0x45: {  	_ =	shalt  }
0x46: {  	_ =	shalt  }
0x47: {  	_ =	shalt  }
0x48: {  	_ =	shalt  }
0x49: {  	_ =	shalt  }
0x4a: {  	_ =	shalt  }
0x4b: {  	_ =	shalt  }
0x4c: {  	_ =	shalt  }
0x4d: {  	_ =	shalt  }
0x4e: {  	_ =	shalt  }
0x4f: {  	_ =	shalt  }
0x50: {  	_ =	shalt  }
0x51: {  	_ =	shalt  }
0x52: {  	_ =	shalt  }
0x53: {  	_ =	shalt  }
0x54: {  	_ =	shalt  }
0x55: {  	_ =	shalt  }
0x56: {  	_ =	shalt  }
0x57: {  	_ =	shalt  }
0x58: {  	_ =	shalt  }
0x59: {  	_ =	shalt  }
0x5a: {  	_ =	shalt  }
0x5b: {  	_ =	shalt  }
0x5c: {  	_ =	shalt  }
0x5d: {  	_ =	shalt  }
0x5e: {  	_ =	shalt  }
0x5f: {  	_ =	shalt  }
0x60: {  	_ =	shalt  }
0x61: {  	_ =	shalt  }
0x62: {  	_ =	shalt  }
0x63: {  	_ =	shalt  }
0x64: {  	_ =	shalt  }
0x65: {  	_ =	shalt  }
0x66: {  	_ =	shalt  }
0x67: {  	_ =	shalt  }
0x68: {  	_ =	shalt  }
0x69: {  	_ =	shalt  }
0x6a: {  	_ =	shalt  }
0x6b: {  	_ =	shalt  }
0x6c: {  	_ =	shalt  }
0x6d: {  	_ =	shalt  }
0x6e: {  	_ =	shalt  }
0x6f: {  	_ =	shalt  }
0x70: {  	_ =	shalt  }
0x71: {  	_ =	shalt  }
0x72: {  	_ =	shalt  }
0x73: {  	_ =	shalt  }
0x74: {  	_ =	shalt  }
0x75: {  	_ =	shalt  }
0x76: {  	_ =	shalt  }
0x77: {  	_ =	shalt  }
0x78: {  	_ =	shalt  }
0x79: {  	_ =	shalt  }
0x7a: {  	_ =	shalt  }
0x7b: {  	_ =	shalt  }
0x7c: {  	_ =	shalt  }
0x7d: {  	_ =	shalt  }
0x7e: {  	_ =	shalt  }
0x7f: {  	_ =	shalt  }
0x80: {  	_ =	shalt  }
0x81: {  	_ =	shalt  }
0x82: {  	_ =	shalt  }
0x83: {  	_ =	shalt  }
0x84: {  	_ =	shalt  }
0x85: {  	_ =	shalt  }
0x86: {  	_ =	shalt  }
0x87: {  	_ =	shalt  }
.Lfunc_end0:
.L_simem_size_0:
called_computation_lowered:
.L_overlay_start_0:
0x88: {  	s2 =	sld [smem:$0x3FD9]  }
0x89: {  	s3 =	sld [smem:$0x3FFE];
	_ =	sdelay $0x1  }
0x8a: {  	s1 =	srdreg.scid  }
0x8b: {  	s0 =	sand.u32 $0x1, s1  }
0x8c: {  	s17 =	sshll.u32 s0, $0xA;
	s2 =	sadd.s32 s3, s2  }
0x8d: {  	s2 =	sadd.s32 s2, s17  }
0x8e: {  	[smem:$0x3FC6] =	sst s2  }
0x8f: {  	_ = 	snop  }
0x90: {  	s2 =	sld [smem:$0x3FC9]  }
0x91: {  	s18 =	sld [smem:$0x3FC8];
	(tm) =	ssettm $0x1  }
0x92: {  	s4 =	sld [smem:$0x3FFB];
	_ =	sdelay $0x3  }
0x93: {  	_ =	strace s4  }
0x94: {  	s4 =	sld [smem:$0x3FFC];
	_ =	sdelay $0x3  }
0x95: {  	_ =	strace s4  }
0x96: {  	s4 =	sld [smem:$0x3FFD];
	_ =	sdelay $0x3  }
0x97: {  	_ =	strace s4  }
0x98: {  	_ =	strace $0x8FFFFFFF  }
0x99: {  	s19 =	sld [smem:$0x3FDB];
	_ =	sdelay $0x1  }
0x9a: {  	s5 =	simm.s32 $_scs_section_size  }
0x9b: {  	s6 =	simm.s32 $_size__tile_overlayer_lowered;
	s7 =	simm.s32 $_tile_overlayer_lowered  }
0x9c: {  	s22 =	simm.s32 $0x1BFF;
	s21 =	sshll.u32 s7, $0x1;
	s4 =	sadd.s32 s5, s19  }
0x9d: {  	s8 =	simm.s32 $0x0;
	s20 =	sshll.u32 s6, $0x1;
	s6 =	sadd.s32 s21, s4  }
0x9e: {  	[timem:s8], [sflag:s22] =	dma.local [hbm:s6], s20  }
0x9f: {  	_ =	swait.ge [sflag:s22], s20  }
0xa0: {  	s5 =	ssub.s32 $0x0, s20;
	[sflag:s22] =	ssyncset.done $0x0  }
0xa1: {  	[sflag:s22] =	ssyncadd.s32 s5;
	_ =	sdelay $0x1  }
0xa2: {  	s23 =	simm.s32 $0x1B8B  }
0xa3: {  	_ =	swait.ge [sflag:s23], $0x1  }
0xa4: {  	[sflag:s23] =	ssyncset.done $0x0  }
0xa5: {  	s25 =	simm.s32 $0x1B8E;
	s24 =	sld [smem:$0x3FFE];
	[sflag:s23] =	ssyncadd.s32 $0xFFFFFFFF  }
0xa6: {  	s26 =	simm.s32 $execute0_lowered;
	[smem:$0x3FD2] =	sst s25  }
0xa7: {  	s6 =	sshll.u32 s26, $0x1;
	_ =	strace $0x80000046;
	[dreg:$0x1] =	wrdreg $0xFFFFFFFF  }
0xa8: {  	s28 =	simm.s32 $_size_execute0_lowered;
	s4 =	sadd.s32 s4, s6;
	[dreg:$0x0] =	wrdreg $0x0  }
0xa9: {  	s6 =	sshll.u32 s28, $0x1;
	[dreg:$0x2] =	wrdreg s4  }
0xaa: {  	[dreg:$0x3] =	wrdreg s6  }
0xab: {  	[dreg:$0x4] =	wrdreg $0xC0  }
0xac: {  	_ =	task [dreg:s8], $0x5FFFF  }
0xad: {  	[dreg:$0x1] =	wrdreg $0xFFFFFFFF  }
0xae: {  	[dreg:$0x0] =	wrdreg $0x60  }
0xaf: {  	[dreg:$0x2] =	wrdreg s2  }
0xb0: {  	[dreg:$0x3] =	wrdreg s18  }
0xb1: {  	[dreg:$0x4] =	wrdreg s24  }
0xb2: {  	[dreg:$0x5] =	wrdreg $0x9  }
0xb3: {  	_ =	task.clear_ibuf [dreg:s8], $0x6FFFF;
	_ =	strace $0x90000046  }
0xb4: {  	s29 =	simm.s32 $0x9;
	_ =	strace $0x80000048  }
0xb5: {  	_ =	swait.ge [sflag:s29], $0x1  }
0xb6: {  	[sflag:s29] =	ssyncadd.s32 $0xFFFFFFFF  }
0xb7: {  	_ =	strace $0x90000048  }
0xb8: {  	_ =	sfence  }
0xb9: {  	s30 =	sld [smem:$0x0];
	_ =	sdelay $0x2  }
0xba: {  	s31 =	sshll.u32 s1, $0xD;
	s1 =	sshrl.u32 s1, $0x2  }
0xbb: {  	s3 =	sand.u32 $0x4000, s31;
	s1 =	sadd.s32 s1, s30  }
0xbc: {  	s0 =	sor.u32 s3, s0;
	s1 =	sshll.u32 s1, $0x11  }
0xbd: {  	s0 =	sor.u32 s1, s0  }
0xbe: {  	s0 =	sadd.s32 $0x8F2B, s0  }
0xbf: {  	[sflag:s0] =	ssyncadd.remote.s32 $0x1  }
0xc0: {  	_ =	sfence.sel $0xFFFF  }
0xc1: {  	[dreg:$0x0] =	wrdreg $0xFFFFFFFF;
	(pc) =	sbr.abs _section_cstart, $3  }
0xc2: {  	[dreg:$0x1] =	wrdreg $0xFFFFFFFF  }
0xc3: {  	_ =	task.clear_ibuf [dreg:s8], $0x2FFFF;
	_ =	strace $0x9FFFFFFF  }
0xc4: {  	(tm) =	ssettm $0x7FFFFFFF  }
0xc5: {  	_ =	shalt  }
tec
execute0_lowered:
.L_overlay_start_1:
0x0: {  	(tag) =	ssettag $0x1  }
0x1: {  	s6 =	rddreg [dreg:$0x0]  }
0x2: {  	s1 =	rddreg [dreg:$0x1]  }
0x3: {  	s4 =	rddreg [dreg:$0x2]  }
0x4: {  	s3 =	simm.s32 $0x0;
	s5 =	srdreg.scid;
	s2 =	stileid.u32  }
0x5: {  	[smem:$0x7FF] =	sst s3;
	s5 =	sand.u32 $0x1, s5;
	s7 =	sshll.u32 s2, $0x1  }
0x6: {  	s0 =	rddreg [dreg:$0x3];
	_ =	strace $0x80000047;
	s7 =	sor.u32 s5, s7  }
0x7: {  	s5 =	ssub.s32 $0x2, s5;
	s8 =	sshll.u32 s7, $0x4;
	s9 =	sshll.u32 s7, $0x3  }
0x8: {  	s26 =	sshrl.u32 s5, $0x1;
	s8 =	sadd.s32 s8, s4;
	s10 =	sadd.s32 $0x2E8, s9  }
0x9: {  	s11 =	ssub.s32 s5, s26;
	s12 =	sadd.s32 $0x2EA, s9;
	s13 =	sadd.s32 $0x2E9, s9  }
0xa: {  	s14 =	sadd.s32 $0x2EC, s9;
	s15 =	sadd.s32 $0x2EE, s9;
	s17 =	sadd.s32 $0x2EB, s9  }
0xb: {  	s18 =	sadd.s32 $0x2ED, s9;
	s31 =	sadd.s32 $0x2EF, s9;
	s28 =	sshll.u32 s10, $0xB  }
0xc: {  	s29 =	sshll.u32 s12, $0xB;
	s30 =	sshll.u32 s14, $0xB;
	s16 =	sshll.u32 s15, $0xB  }
0xd: {  	v0 =	vmov s10;
	s8 =	sadd.s32 $0x400, s8;
	s9 =	smax.u32 s11, $0x1;
	s10 =	simm.s32 $0x1  }
0xe: {  	v1 =	vmov s13;
	v2 =	vmov s12;
	s11 =	simm.s32 $0x100;
	s12 =	simm.s32 $0x400;
	s13 =	simm.s32 $0x4000  }
0xf: {  	v4 =	vmov s14;
	v6 =	vmov s15;
	s14 =	simm.s32 $0xC000;
	s15 =	simm.s32 $0x0;
	s4 =	sadd.s32 s6, s28  }
0x10: {  	s5 =	sand.u32 $0x1FC000, s29;
	s7 =	sand.u32 $0x1FC000, s30;
	s16 =	sand.u32 $0x1FC000, s16  }
0x11: {  	v8 =	vimm.f32 $-1.002003990e-04;
	s5 =	sadd.s32 s5, s6;
	s7 =	sadd.s32 s7, s6;
	s16 =	sadd.s32 s16, s6  }
0x12: {  	v3 =	vmov s17;
	v5 =	vmov s18;
	v7 =	vmov s31;
	s5 =	sadd.s32 $0x20, s5;
	s6 =	sadd.s32 $0x40, s7;
	s7 =	sadd.s32 $0x60, s16  }
.LBB2_1:
0x13: {  	[tilespmem:s3], [sflag:$0x1] =	stream.linear.gather [hbm4b:s1+s3], $0x4000, $0x38;
	[tilespmem:$0xC080] =	vst v63  }
0x14: {  	_ =	swait.ge [sflag:s10], $0x4000  }
0x15: {  	[sflag:s10] =	ssyncset.done $0x0  }
0x16: {  	[sflag:s10] =	ssyncadd.s32 $0xFFFFC000  }
0x17: {  	[tilespmem:s13], [sflag:$0x1] =	stream.strided.gather [hbm4b:s4+s11], $0x8000, s12, s11, $0x38;
	[tilespmem:$0xC080] =	vst v63  }
0x18: {  	_ =	swait.ge [sflag:s10], $0x8000  }
0x19: {  	[sflag:s10] =	ssyncset.done $0x0  }
0x1a: {  	s16 =	sand.u32 $0x70, s3;
	s17 =	sand.u32 $0x7F00, s3;
	[sflag:s10] =	ssyncadd.s32 $0xFFFF8000  }
0x1b: {  	s16 =	sor.u32 s16, s17;
	v14 =	vld [tilespmem:s3+$0x0]  }
0x1c: {  	v10 =	vld [tilespmem:s16+$0x4000]  }
0x1d: {  	v11 =	vld [tilespmem:s16+$0x4080];
	_ =	sdelay $0x1  }
0x1e: {  	s31 =	simm.s32 $0x20;
	s16 =	simm.s32 $0x10  }
0x1f: {  	s17 =	sand.u32 $0x7F00, s31;
	s18 =	sand.u32 $0x70, s16;
	vm0 =	veq.s32 v14, v0;
	vm1 =	veq.s32 v14, v1  }
0x20: {  	v9 =	vld [tilespmem:s16+$0x0];
	s18 =	sor.u32 s18, s17;
	v12 =	vsel vm0, $0xBF666666, v8;
	v13 =	vsel vm1, $0xBF666666, v8  }
0x21: {  	v15 =	vmul.f32 v12, v10;
	v13 =	vmul.f32 v13, v11;
	v11 =	vld [tilespmem:s18+$0x4000]  }
0x22: {  	v12 =	vld [tilespmem:s18+$0x4080]  }
0x23: {  	s17 =	simm.s32 $0x20;
	vm0 =	veq.s32 v14, $0x0;
	v10 =	vimm.f32 $0.0e+00;
	s18 =	simm.s32 $0x40;
	v13 =	vadd.f32 v13, v15  }
.LBB2_2:
0x24: {  	s19 =	sand.u32 $0x70, s17  }
0x25: {  	s20 =	sand.u32 $0x7F00, s18;
	vm1 =	veq.s32 v9, v0;
	vm2 =	veq.s32 v9, v1;
	s16 =	sadd.s32 $0x10, s16;
	v13 =	vsel vm0, $0x0, v13;
	v14 =	vmovc v9;
	p0 =	sne.s32 s17, $0x3FF0  }
.Ltmp0:
0x26: {  	s17 =	sadd.s32 $0x10, s17;
	v9 =	vld [tilespmem:s16+$0x0];
	s19 =	sor.u32 s19, s20;
	v15 =	vsel vm1, $0xBF666666, v8;
	v16 =	vsel vm2, $0xBF666666, v8;
	v10 =	vadd.f32 v13, v10;
	(pc) =	sbr.rel @p0 .LBB2_2-.Ltmp0, $4  }
0x27: {  	v13 =	vmul.f32 v15, v11;
	v11 =	vld [tilespmem:s19+$0x4000];
	v15 =	vmul.f32 v16, v12  }
0x28: {  	v12 =	vld [tilespmem:s19+$0x4080]  }
0x29: {  	v13 =	vadd.f32 v15, v13  }
0x2a: {  	s18 =	sadd.s32 $0x20, s18;
	vm0 =	veq.s32 v14, $0x0  }
0x2b: {  	[tilespmem:s13], [sflag:$0x1] =	stream.strided.gather [hbm4b:s5+s11], $0x8000, s12, s11, $0x38;
	[tilespmem:$0xC080] =	vst v63  }
0x2c: {  	_ =	swait.ge [sflag:s10], $0x8000  }
0x2d: {  	s16 =	simm.s32 $0x0;
	[sflag:s10] =	ssyncset.done $0x0  }
0x2e: {  	s17 =	sand.u32 $0x70, s16;
	s18 =	sand.u32 $0x7F00, s16;
	[sflag:s10] =	ssyncadd.s32 $0xFFFF8000  }
0x2f: {  	s29 =	sor.u32 s17, s18;
	v14 =	vld [tilespmem:s16+$0x0]  }
0x30: {  	vm1 =	veq.s32 v9, v0;
	vm2 =	veq.s32 v9, v1;
	v15 =	vld [tilespmem:s29+$0x4000]  }
0x31: {  	v17 =	vsel vm1, $0xBF666666, v8;
	v18 =	vsel vm2, $0xBF666666, v8;
	v16 =	vld [tilespmem:s29+$0x4080]  }
0x32: {  	v13 =	vsel vm0, $0x0, v13;
	v11 =	vmul.f32 v17, v11;
	v12 =	vmul.f32 v18, v12  }
0x33: {  	s30 =	simm.s32 $0x20;
	v10 =	vadd.f32 v13, v10;
	s16 =	simm.s32 $0x10  }
0x34: {  	s17 =	sand.u32 $0x7F00, s30;
	v11 =	vadd.f32 v12, v11;
	s31 =	sand.u32 $0x70, s16;
	vm0 =	veq.s32 v14, v2;
	vm1 =	veq.s32 v14, v3  }
0x35: {  	s18 =	sor.u32 s31, s17;
	v12 =	vsel vm0, $0xBF666666, v8;
	v13 =	vsel vm1, $0xBF666666, v8;
	vm0 =	veq.s32 v9, $0x0;
	v9 =	vld [tilespmem:s16+$0x0]  }
0x36: {  	v15 =	vmul.f32 v12, v15;
	v13 =	vmul.f32 v13, v16;
	v12 =	vsel vm0, $0x0, v11;
	v11 =	vld [tilespmem:s18+$0x4000]  }
0x37: {  	v10 =	vadd.f32 v12, v10;
	v12 =	vld [tilespmem:s18+$0x4080]  }
0x38: {  	s17 =	simm.s32 $0x20;
	vm0 =	veq.s32 v14, $0x0;
	s18 =	simm.s32 $0x40;
	v13 =	vadd.f32 v13, v15  }
.LBB2_4:
0x39: {  	s19 =	sand.u32 $0x70, s17  }
0x3a: {  	s20 =	sand.u32 $0x7F00, s18;
	vm1 =	veq.s32 v9, v2;
	vm2 =	veq.s32 v9, v3;
	s16 =	sadd.s32 $0x10, s16;
	v13 =	vsel vm0, $0x0, v13;
	v14 =	vmovc v9;
	p0 =	sne.s32 s17, $0x3FF0  }
.Ltmp1:
0x3b: {  	s17 =	sadd.s32 $0x10, s17;
	v9 =	vld [tilespmem:s16+$0x0];
	s19 =	sor.u32 s19, s20;
	v15 =	vsel vm1, $0xBF666666, v8;
	v16 =	vsel vm2, $0xBF666666, v8;
	v10 =	vadd.f32 v13, v10;
	(pc) =	sbr.rel @p0 .LBB2_4-.Ltmp1, $4  }
0x3c: {  	v13 =	vmul.f32 v15, v11;
	v11 =	vld [tilespmem:s19+$0x4000];
	v15 =	vmul.f32 v16, v12  }
0x3d: {  	v12 =	vld [tilespmem:s19+$0x4080]  }
0x3e: {  	v13 =	vadd.f32 v15, v13  }
0x3f: {  	s18 =	sadd.s32 $0x20, s18;
	vm0 =	veq.s32 v14, $0x0  }
0x40: {  	[tilespmem:s13], [sflag:$0x1] =	stream.strided.gather [hbm4b:s6+s11], $0x8000, s12, s11, $0x38;
	[tilespmem:$0xC080] =	vst v63  }
0x41: {  	_ =	swait.ge [sflag:s10], $0x8000  }
0x42: {  	s16 =	simm.s32 $0x0;
	[sflag:s10] =	ssyncset.done $0x0  }
0x43: {  	s17 =	sand.u32 $0x70, s16;
	s18 =	sand.u32 $0x7F00, s16;
	[sflag:s10] =	ssyncadd.s32 $0xFFFF8000  }
0x44: {  	s29 =	sor.u32 s17, s18;
	v14 =	vld [tilespmem:s16+$0x0]  }
0x45: {  	vm1 =	veq.s32 v9, v2;
	vm2 =	veq.s32 v9, v3;
	v15 =	vld [tilespmem:s29+$0x4000]  }
0x46: {  	v17 =	vsel vm1, $0xBF666666, v8;
	v18 =	vsel vm2, $0xBF666666, v8;
	v16 =	vld [tilespmem:s29+$0x4080]  }
0x47: {  	v13 =	vsel vm0, $0x0, v13;
	v11 =	vmul.f32 v17, v11;
	v12 =	vmul.f32 v18, v12  }
0x48: {  	s30 =	simm.s32 $0x20;
	v10 =	vadd.f32 v13, v10;
	s16 =	simm.s32 $0x10  }
0x49: {  	s17 =	sand.u32 $0x7F00, s30;
	v11 =	vadd.f32 v12, v11;
	s31 =	sand.u32 $0x70, s16;
	vm0 =	veq.s32 v14, v4;
	vm1 =	veq.s32 v14, v5  }
0x4a: {  	s18 =	sor.u32 s31, s17;
	v12 =	vsel vm0, $0xBF666666, v8;
	v13 =	vsel vm1, $0xBF666666, v8;
	vm0 =	veq.s32 v9, $0x0;
	v9 =	vld [tilespmem:s16+$0x0]  }
0x4b: {  	v15 =	vmul.f32 v12, v15;
	v13 =	vmul.f32 v13, v16;
	v12 =	vsel vm0, $0x0, v11;
	v11 =	vld [tilespmem:s18+$0x4000]  }
0x4c: {  	v10 =	vadd.f32 v12, v10;
	v12 =	vld [tilespmem:s18+$0x4080]  }
0x4d: {  	s17 =	simm.s32 $0x20;
	vm0 =	veq.s32 v14, $0x0;
	s18 =	simm.s32 $0x40;
	v13 =	vadd.f32 v13, v15  }
.LBB2_6:
0x4e: {  	s19 =	sand.u32 $0x70, s17  }
0x4f: {  	s20 =	sand.u32 $0x7F00, s18;
	vm1 =	veq.s32 v9, v4;
	vm2 =	veq.s32 v9, v5;
	s16 =	sadd.s32 $0x10, s16;
	v13 =	vsel vm0, $0x0, v13;
	v14 =	vmovc v9;
	p0 =	sne.s32 s17, $0x3FF0  }
.Ltmp2:
0x50: {  	s17 =	sadd.s32 $0x10, s17;
	v9 =	vld [tilespmem:s16+$0x0];
	s19 =	sor.u32 s19, s20;
	v15 =	vsel vm1, $0xBF666666, v8;
	v16 =	vsel vm2, $0xBF666666, v8;
	v10 =	vadd.f32 v13, v10;
	(pc) =	sbr.rel @p0 .LBB2_6-.Ltmp2, $4  }
0x51: {  	v13 =	vmul.f32 v15, v11;
	v11 =	vld [tilespmem:s19+$0x4000];
	v15 =	vmul.f32 v16, v12  }
0x52: {  	v12 =	vld [tilespmem:s19+$0x4080]  }
0x53: {  	v13 =	vadd.f32 v15, v13  }
0x54: {  	s18 =	sadd.s32 $0x20, s18;
	vm0 =	veq.s32 v14, $0x0  }
0x55: {  	[tilespmem:s13], [sflag:$0x1] =	stream.strided.gather [hbm4b:s7+s11], $0x8000, s12, s11, $0x38;
	[tilespmem:$0xC080] =	vst v63  }
0x56: {  	_ =	swait.ge [sflag:s10], $0x8000  }
0x57: {  	s16 =	simm.s32 $0x0;
	[sflag:s10] =	ssyncset.done $0x0  }
0x58: {  	s17 =	sand.u32 $0x70, s16;
	s18 =	sand.u32 $0x7F00, s16;
	[sflag:s10] =	ssyncadd.s32 $0xFFFF8000  }
0x59: {  	s29 =	sor.u32 s17, s18;
	v14 =	vld [tilespmem:s16+$0x0]  }
0x5a: {  	vm1 =	veq.s32 v9, v4;
	vm2 =	veq.s32 v9, v5;
	v15 =	vld [tilespmem:s29+$0x4000]  }
0x5b: {  	v17 =	vsel vm1, $0xBF666666, v8;
	v18 =	vsel vm2, $0xBF666666, v8;
	v16 =	vld [tilespmem:s29+$0x4080]  }
0x5c: {  	v13 =	vsel vm0, $0x0, v13;
	v11 =	vmul.f32 v17, v11;
	v12 =	vmul.f32 v18, v12  }
0x5d: {  	s30 =	simm.s32 $0x20;
	v10 =	vadd.f32 v13, v10;
	s16 =	simm.s32 $0x10  }
0x5e: {  	s17 =	sand.u32 $0x7F00, s30;
	v11 =	vadd.f32 v12, v11;
	s31 =	sand.u32 $0x70, s16;
	vm0 =	veq.s32 v14, v6;
	vm1 =	veq.s32 v14, v7  }
0x5f: {  	s18 =	sor.u32 s31, s17;
	v12 =	vsel vm0, $0xBF666666, v8;
	v13 =	vsel vm1, $0xBF666666, v8;
	vm0 =	veq.s32 v9, $0x0;
	v9 =	vld [tilespmem:s16+$0x0]  }
0x60: {  	v15 =	vmul.f32 v12, v15;
	v13 =	vmul.f32 v13, v16;
	v12 =	vsel vm0, $0x0, v11;
	v11 =	vld [tilespmem:s18+$0x4000]  }
0x61: {  	v10 =	vadd.f32 v12, v10;
	v12 =	vld [tilespmem:s18+$0x4080]  }
0x62: {  	s17 =	simm.s32 $0x20;
	vm0 =	veq.s32 v14, $0x0;
	s18 =	simm.s32 $0x40;
	v13 =	vadd.f32 v13, v15  }
.LBB2_8:
0x63: {  	s19 =	sand.u32 $0x70, s17  }
0x64: {  	s20 =	sand.u32 $0x7F00, s18;
	vm1 =	veq.s32 v9, v6;
	vm2 =	veq.s32 v9, v7;
	s16 =	sadd.s32 $0x10, s16;
	v13 =	vsel vm0, $0x0, v13;
	v14 =	vmovc v9;
	p0 =	sne.s32 s17, $0x3FF0  }
.Ltmp3:
0x65: {  	s17 =	sadd.s32 $0x10, s17;
	v9 =	vld [tilespmem:s16+$0x0];
	s19 =	sor.u32 s19, s20;
	v15 =	vsel vm1, $0xBF666666, v8;
	v16 =	vsel vm2, $0xBF666666, v8;
	v10 =	vadd.f32 v13, v10;
	(pc) =	sbr.rel @p0 .LBB2_8-.Ltmp3, $4  }
0x66: {  	v13 =	vmul.f32 v15, v11;
	v11 =	vld [tilespmem:s19+$0x4000];
	v15 =	vmul.f32 v16, v12  }
0x67: {  	v12 =	vld [tilespmem:s19+$0x4080]  }
0x68: {  	v13 =	vadd.f32 v15, v13  }
0x69: {  	s18 =	sadd.s32 $0x20, s18;
	vm0 =	veq.s32 v14, $0x0  }
0x6a: {  	vm1 =	veq.s32 v9, v6;
	vm2 =	veq.s32 v9, v7  }
0x6b: {  	v14 =	vsel vm1, $0xBF666666, v8;
	v15 =	vsel vm2, $0xBF666666, v8  }
0x6c: {  	v11 =	vmul.f32 v14, v11;
	v12 =	vmul.f32 v15, v12;
	_ =	sdelay $0x1  }
0x6d: {  	v13 =	vsel vm0, $0x0, v13;
	v11 =	vadd.f32 v12, v11  }
0x6e: {  	vm15 =	veq.s32 v9, $0x0;
	v10 =	vadd.f32 v13, v10  }
0x6f: {  	v9 =	vsel vm15, $0x0, v11  }
0x70: {  	s15 =	sadd.s32 $0x1, s15;
	v9 =	vadd.f32 v9, v10  }
0x71: {  	p0 =	sne.s32 s15, s9  }
.Ltmp4:
0x72: {  	[tilespmem:$0xC000] =	vst v9;
	(pc) =	sbr.rel @p0 .LBB2_1-.Ltmp4, $4  }
0x73: {  	[hbm4b:s8+s3] =	stream.linear.scatter [tilespmem:s14], [sflag:$0x1], $0x80, $0x38;
	[tilespmem:$0xC080] =	vst v63  }
0x74: {  	_ =	swait.ge [sflag:s10], $0x80  }
0x75: {  	[sflag:s10] =	ssyncset.done $0x0  }
0x76: {  	[sflag:s10] =	ssyncadd.s32 $0xFFFFFF80  }
0x77: {  	_ =	sfence.sel $0x180000  }
0x78: {  	[bflag:$0x0] =	sbarrier.arrive $0xFFFF  }
0x79: {  	p0 =	sne.s32 s2, $0x0;
	_ =	strace $0x90000047  }
0x7a: {  	s0 =	sadd.s32 @!p0 $0x100000, s0;
	[bflag:$0x2] =	sbarrier.arrive $0xFFFF  }
0x7b: {  	[sflag:s0] =	ssyncadd.tile.s32 @!p0 $0x1;
	_ =	shalt  }
.Lfunc_end2:
_tile_overlayer_lowered:
.L_overlay_start_2:
0x7c: {  	(tag) =	ssettag $0x2  }
0x7d: {  	s0 =	rddreg [dreg:$0x0];
	s2 =	stileid.u32  }
0x7e: {  	s1 =	rddreg [dreg:$0x1];
	p0 =	sne.s32 s2, $0x0  }
0x7f: {  	s3 =	rddreg [dreg:$0x2];
	[bflag:$0x3] =	sbarrier.arrive $0xFFFF;
	s2 =	simm.s32 @!p0 $0x1C01  }
0x80: {  	[timem:s3], [sflag:s2] =	dma.local @!p0 [hbm:s0], s1  }
0x81: {  	s0 =	simm.s32 @!p0 $0x1  }
0x82: {  	_ =	swait.ge @!p0 [sflag:s0], s1  }
0x83: {  	s1 =	ssub.s32 @!p0 $0x0, s1;
	[sflag:s0] =	ssyncset.done @!p0 $0x0  }
0x84: {  	[sflag:s0] =	ssyncadd.s32 @!p0 s1  }
0x85: {  	[bflag:$0x3] =	sbarrier.arrive $0xFFFF  }
0x86: {  	_ =	shalt  }

</sc_bundles>
